<compile_context>
chip_gen: v7x
topology: tpu7x:2x2x1
jax: 0.10.2.dev20260603
libtpu: 0.0.44.dev20260713+nightly
codegen_flags: <defaults>
</compile_context>

<pallas_src>
import functools

import jax
import jax.numpy as jnp
from jax import lax
from jax.experimental import pallas as pl
from jax.experimental.pallas import tpu as pltpu
from jax.experimental.pallas import tpu_sc as plsc

_EPS = 1e-6


def _dist_body(B, mu_ref, y_ref, pit_ref, idxa_ref, idxf_ref, cls_ref):
    K, T2, Bb = mu_ref.shape
    T = T2 // 2
    mu = mu_ref[...]
    yt = y_ref[...]
    d = mu - yt[None]
    dists = []
    for t in range(T):
        dx = d[:, 2 * t, :]
        dy = d[:, 2 * t + 1, :]
        dists.append(jnp.sqrt(dx * dx + dy * dy))
    l2 = dists[0]
    for t in range(1, T):
        l2 = l2 + dists[t]
    dfde = dists[T - 1]

    kio = lax.broadcasted_iota(jnp.int32, (K, Bb), 0)
    minv = jnp.min(l2, axis=0)
    best = jnp.min(jnp.where(l2 == minv[None], kio, K), axis=0)
    minf = jnp.min(dfde, axis=0)
    bestf = jnp.min(jnp.where(dfde == minf[None], kio, K), axis=0)

    i = pl.program_id(0)
    boff = (i * Bb + lax.broadcasted_iota(jnp.int32, (1, Bb), 1)) * T2
    jio = lax.broadcasted_iota(jnp.int32, (T2, Bb), 0)
    idxa_ref[...] = jnp.reshape(best, (1, Bb)) * (B * T2) + boff + jio
    idxf_ref[...] = jnp.reshape(bestf, (1, Bb)) * (B * T2) + boff + jio

    z = l2 * (-1.0 / T)
    zm = jnp.max(z, axis=0)
    ez = jnp.exp(z - zm[None])
    st = ez / jnp.sum(ez, axis=0)[None]
    pit = pit_ref[...]
    pm = jnp.max(pit, axis=0)
    lse = jnp.log(jnp.sum(jnp.exp(pit - pm[None]), axis=0)) + pm
    ce = jnp.sum(st * (lse[None] - pit), axis=0)
    cls_part = jnp.sum(ce)

    @pl.when(i == 0)
    def _init():
        cls_ref[...] = jnp.zeros_like(cls_ref)

    cls_ref[...] = cls_ref[...] + jnp.reshape(cls_part, (1, 1))


def _run_dist(mu_t, y_t, pit, K, B, T2, Bb, interpret=False):
    return pl.pallas_call(
        functools.partial(_dist_body, B),
        grid=(B // Bb,),
        in_specs=[
            pl.BlockSpec((K, T2, Bb), lambda i: (0, 0, i)),
            pl.BlockSpec((T2, Bb), lambda i: (0, i)),
            pl.BlockSpec((K, Bb), lambda i: (0, i)),
        ],
        out_specs=[
            pl.BlockSpec((T2, Bb), lambda i: (0, i)),
            pl.BlockSpec((T2, Bb), lambda i: (0, i)),
            pl.BlockSpec((1, 1), lambda i: (0, 0)),
        ],
        out_shape=[
            jax.ShapeDtypeStruct((T2, B), jnp.int32),
            jax.ShapeDtypeStruct((T2, B), jnp.int32),
            jax.ShapeDtypeStruct((1, 1), jnp.float32),
        ],
        interpret=interpret,
    )(mu_t, y_t, pit)


def _gather_sel(mu1, sg1, ia, iff):
    N = ia.shape[0]
    info = plsc.get_sparse_core_info()
    nw = info.num_cores * info.num_subcores
    chunk = N // nw
    mesh = plsc.VectorSubcoreMesh(core_axis_name="c", subcore_axis_name="s")

    @functools.partial(
        pl.kernel, mesh=mesh,
        out_type=[
            jax.ShapeDtypeStruct((N,), jnp.float32),
            jax.ShapeDtypeStruct((N,), jnp.float32),
            jax.ShapeDtypeStruct((N,), jnp.float32),
        ],
        scratch_types=[
            pltpu.VMEM((chunk,), jnp.int32),
            pltpu.VMEM((chunk,), jnp.float32),
            pltpu.SemaphoreType.DMA,
        ],
        compiler_params=pltpu.CompilerParams(use_tc_tiling_on_sc=False),
    )
    def k(mu_hbm, sg_hbm, ia_hbm, if_hbm, oa_hbm, os_hbm, of_hbm,
          idx_v, rows_v, sem):
        wid = lax.axis_index("s") * info.num_cores + lax.axis_index("c")
        base = wid * chunk
        pltpu.sync_copy(ia_hbm.at[pl.ds(base, chunk)], idx_v)
        pltpu.async_copy(mu_hbm.at[idx_v], rows_v, sem).wait()
        pltpu.sync_copy(rows_v, oa_hbm.at[pl.ds(base, chunk)])
        pltpu.async_copy(sg_hbm.at[idx_v], rows_v, sem).wait()
        pltpu.sync_copy(rows_v, os_hbm.at[pl.ds(base, chunk)])
        pltpu.sync_copy(if_hbm.at[pl.ds(base, chunk)], idx_v)
        pltpu.async_copy(mu_hbm.at[idx_v], rows_v, sem).wait()
        pltpu.sync_copy(rows_v, of_hbm.at[pl.ds(base, chunk)])

    return k(mu1, sg1, ia, iff)


def _nll_body(sm_ref, ss_ref, yb_ref, reg_ref):
    sm = sm_ref[...]
    sc = jnp.maximum(ss_ref[...], _EPS)
    nll = jnp.log(2.0 * sc) + jnp.abs(yb_ref[...] - sm) / sc
    reg_ref[...] = jnp.reshape(jnp.sum(nll), (1, 1))


def _run_nll(sm, ss, yb, interpret=False):
    R, C = sm.shape
    return pl.pallas_call(
        _nll_body,
        in_specs=[
            pl.BlockSpec((R, C), lambda: (0, 0)),
            pl.BlockSpec((R, C), lambda: (0, 0)),
            pl.BlockSpec((R, C), lambda: (0, 0)),
        ],
        out_specs=pl.BlockSpec((1, 1), lambda: (0, 0)),
        out_shape=jax.ShapeDtypeStruct((1, 1), jnp.float32),
        interpret=interpret,
    )(sm, ss, yb)


def kernel(out_mu, out_sigma, out_pi, y, pre_obs):
    K, B, T, _ = out_mu.shape
    T2 = 2 * T
    mu2 = out_mu.reshape(K, B, T2)
    mu_t = jnp.transpose(mu2, (0, 2, 1))
    y_t = jnp.transpose(y, (0, 2, 1)).reshape(T2, B)
    pit = jnp.transpose(out_pi, (1, 0))
    Bb = 2048 if B % 2048 == 0 else B

    idxa, idxf, cls = _run_dist(mu_t, y_t, pit, K, B, T2, Bb)

    sel_a, sel_s, sel_f = _gather_sel(
        mu2.reshape(K * B * T2), out_sigma.reshape(K * B * T2),
        idxa.reshape(T2 * B), idxf.reshape(T2 * B))

    flat = (B * T2) // 2048
    reg = _run_nll(sel_a.reshape(flat, 2048), sel_s.reshape(flat, 2048),
                   y_t.reshape(flat, 2048))

    loss = reg[0, 0] / (B * T2) + cls[0, 0] / B
    sk = jnp.transpose(sel_a.reshape(T, 2, B), (0, 2, 1))
    skf = jnp.transpose(sel_f.reshape(T, 2, B), (0, 2, 1))
    tra_ade = jnp.concatenate([pre_obs, sk], axis=0)
    tra_fde = jnp.concatenate([pre_obs, skf], axis=0)
    return (loss, tra_ade, tra_fde)

# --- scband reference (transcript-rebuilt; emitter-appended) ---
"""Pipeline reference for scband-gatraj-36404142801290 (READ-ONLY COPY).

The authoritative reference and input builder live on the scoring server;
editing this copy changes nothing except your own understanding.
"""

import jax, jax.numpy as jnp
import numpy as np

OBS_LENGTH = 8
PRED_LENGTH = 12
K_MODES = 20
BATCH = 16384


def setup_inputs(seed: int = 0) -> dict:
    key = jax.random.key(seed)
    k1, k2, k3, k4, k5 = jax.random.split(key, 5)
    out_mu = jax.random.normal(k1, (K_MODES, BATCH, PRED_LENGTH, 2), dtype=jnp.float32)
    out_sigma = jax.random.uniform(k2, (K_MODES, BATCH, PRED_LENGTH, 2), dtype=jnp.float32)
    out_pi = jax.random.normal(k3, (BATCH, K_MODES), dtype=jnp.float32)
    y = jax.random.normal(k4, (PRED_LENGTH, BATCH, 2), dtype=jnp.float32)
    pre_obs = jax.random.normal(k5, (OBS_LENGTH - 1, BATCH, 2), dtype=jnp.float32)
    return {"out_mu": out_mu, "out_sigma": out_sigma, "out_pi": out_pi, "y": y, "pre_obs": pre_obs}


def reference(out_mu, out_sigma, out_pi, y, pre_obs):
    # Faithful translation of GATraj.mdn_loss with LaplaceNLLLoss and
    # SoftTargetCrossEntropyLoss (both reduction='mean').
    eps = 1e-06
    B = y.shape[1]
    yb = jnp.transpose(y, (1, 0, 2))  # [B, T, 2]
    y_hat = jnp.concatenate([out_mu, out_sigma], axis=-1)  # [K, B, T, 4]
    # l2 distance per mode: norm over coord dim, sum over time -> [K, B]
    l2 = jnp.linalg.norm(out_mu - yb[None, ...], axis=-1).sum(axis=-1)
    best_mode = jnp.argmin(l2, axis=0)  # [B]
    ar = jnp.arange(B)
    y_hat_best = y_hat[best_mode, ar]  # [B, T, 4]
    loc, scale = jnp.split(y_hat_best, 2, axis=-1)
    # torch clamps scale in-place under no_grad -> straight-through clamp
    scale_c = scale + jax.lax.stop_gradient(jnp.maximum(scale, eps) - scale)
    nll = jnp.log(2.0 * scale_c) + jnp.abs(yb - loc) / scale_c
    reg_loss = nll.mean()
    # soft target classification loss (target detached)
    soft_target = jax.lax.stop_gradient(
        jnp.transpose(jax.nn.softmax(-l2 / PRED_LENGTH, axis=0)))  # [B, K]
    cross_entropy = jnp.sum(-soft_target * jax.nn.log_softmax(out_pi, axis=-1), axis=-1)
    cls_loss = cross_entropy.mean()
    loss = reg_loss + cls_loss
    # full predicted trajectories (best-ADE and best-FDE modes)
    sample_k = jnp.transpose(out_mu[best_mode, ar], (1, 0, 2))  # [T, B, 2]
    tra_ade = jnp.concatenate([pre_obs, sample_k], axis=0)
    l2_fde = jnp.linalg.norm(out_mu[:, :, -1, :] - yb[:, -1, :][None, ...], axis=-1)  # [K, B]
    best_mode_fde = jnp.argmin(l2_fde, axis=0)
    sample_k_fde = jnp.transpose(out_mu[best_mode_fde, ar], (1, 0, 2))
    tra_fde = jnp.concatenate([pre_obs, sample_k_fde], axis=0)
    return (loss, tra_ade, tra_fde)

if __name__ == "__main__":
    import jax
    _d = setup_inputs()
    print(jax.jit(kernel)(*tuple(_d.values())))

</pallas_src>

<mosaic_0001>
#map = affine_map<(d0, d1) -> (0)>
module attributes {stable_mosaic.version = 14 : i64} {
  func.func @k(%arg0: i32, %arg1: i32, %arg2: memref<7864320xf32, #tpu.memory_space<hbm>>, %arg3: memref<7864320xf32, #tpu.memory_space<hbm>>, %arg4: memref<393216xi32, #tpu.memory_space<hbm>>, %arg5: memref<393216xi32, #tpu.memory_space<hbm>>, %arg6: memref<393216xf32, #tpu.memory_space<hbm>>, %arg7: memref<393216xf32, #tpu.memory_space<hbm>>, %arg8: memref<393216xf32, #tpu.memory_space<hbm>>, %arg9: memref<12288xi32, #tpu.memory_space<vmem>>, %arg10: memref<12288xf32, #tpu.memory_space<vmem>>, %arg11: memref<!tpu.dma_semaphore, #tpu.memory_space<semaphore_mem>>) attributes {dimension_semantics = [#tpu.dimension_semantics<core_parallel>, #tpu.dimension_semantics<subcore_parallel>], iteration_bounds = array<i64: 2, 16>, scalar_prefetch = 0 : i64, scratch_operands = 3 : i64, tpu.core_type = #tpu.core_type<sc_vector_subcore>, window_params = [{transform_indices = #map}, {transform_indices = #map}, {transform_indices = #map}, {transform_indices = #map}, {transform_indices = #map}, {transform_indices = #map}, {transform_indices = #map}]} {
    %mul3A = arith.constant 2 : i32
    %mul3A_0 = arith.muli %arg1, %mul3A : i32
    %add3A = arith.addi %mul3A_0, %arg0 : i32
    %mul3A_1 = arith.constant 12288 : i32
    %mul3A_2 = arith.muli %add3A, %mul3A_1 : i32
    "tpu.region"() ({
      %run_scoped3A = tpu.sem_alloc : memref<!tpu.dma_semaphore, #tpu.memory_space<semaphore_mem>>
      %dma_start3A_13 = tpu.memref_slice %arg4[%mul3A_2] : memref<393216xi32, #tpu.memory_space<hbm>> -> memref<12288xi32, #tpu.memory_space<hbm>>
      %dma_start3A_14 = tpu.memref_slice %arg4[%mul3A_2] : memref<393216xi32, #tpu.memory_space<hbm>> -> memref<12288xi32, #tpu.memory_space<hbm>>
      tpu.enqueue_dma source(%dma_start3A_14 : memref<12288xi32, #tpu.memory_space<hbm>>) target(%arg9 : memref<12288xi32, #tpu.memory_space<vmem>>) target_semaphore(%run_scoped3A : memref<!tpu.dma_semaphore, #tpu.memory_space<semaphore_mem>>)
      %dma_wait3A_15 = tpu.memref_slice %arg4[%mul3A_2] : memref<393216xi32, #tpu.memory_space<hbm>> -> memref<12288xi32, #tpu.memory_space<hbm>>
      %dma_wait3A_16 = tpu.memref_slice %arg4[%mul3A_2] : memref<393216xi32, #tpu.memory_space<hbm>> -> memref<12288xi32, #tpu.memory_space<hbm>>
      tpu.wait_dma2 semaphore(%run_scoped3A : memref<!tpu.dma_semaphore, #tpu.memory_space<semaphore_mem>>) src(%dma_wait3A_16 : memref<12288xi32, #tpu.memory_space<hbm>>) dst(%arg9 : memref<12288xi32, #tpu.memory_space<vmem>>)
      tpu.yield
    }) : () -> ()
    %dma_start3A = arith.constant 0 : i32
    %dma_start3A_3 = tpu.memref_slice %arg2[%dma_start3A] : memref<7864320xf32, #tpu.memory_space<hbm>> -> memref<7864320xf32, #tpu.memory_space<hbm>>
    tpu.enqueue_indirect_dma source(%dma_start3A_3 : memref<7864320xf32, #tpu.memory_space<hbm>>) target(%arg10 : memref<12288xf32, #tpu.memory_space<vmem>>) offsets(%arg9 : memref<12288xi32, #tpu.memory_space<vmem>>) semaphore(%arg11 : memref<!tpu.dma_semaphore, #tpu.memory_space<semaphore_mem>>)
    %dma_wait3A = arith.constant 0 : i32
    %dma_wait3A_4 = tpu.memref_slice %arg2[%dma_wait3A] : memref<7864320xf32, #tpu.memory_space<hbm>> -> memref<7864320xf32, #tpu.memory_space<hbm>>
    tpu.wait_indirect_dma semaphore(%arg11 : memref<!tpu.dma_semaphore, #tpu.memory_space<semaphore_mem>>) src(%dma_wait3A_4 : memref<7864320xf32, #tpu.memory_space<hbm>>) dst(%arg10 : memref<12288xf32, #tpu.memory_space<vmem>>)
    "tpu.region"() ({
      %run_scoped3A = tpu.sem_alloc : memref<!tpu.dma_semaphore, #tpu.memory_space<semaphore_mem>>
      %dma_start3A_13 = tpu.memref_slice %arg6[%mul3A_2] : memref<393216xf32, #tpu.memory_space<hbm>> -> memref<12288xf32, #tpu.memory_space<hbm>>
      %dma_start3A_14 = tpu.memref_slice %arg6[%mul3A_2] : memref<393216xf32, #tpu.memory_space<hbm>> -> memref<12288xf32, #tpu.memory_space<hbm>>
      tpu.enqueue_dma source(%arg10 : memref<12288xf32, #tpu.memory_space<vmem>>) target(%dma_start3A_14 : memref<12288xf32, #tpu.memory_space<hbm>>) target_semaphore(%run_scoped3A : memref<!tpu.dma_semaphore, #tpu.memory_space<semaphore_mem>>)
      %dma_wait3A_15 = tpu.memref_slice %arg6[%mul3A_2] : memref<393216xf32, #tpu.memory_space<hbm>> -> memref<12288xf32, #tpu.memory_space<hbm>>
      %dma_wait3A_16 = tpu.memref_slice %arg6[%mul3A_2] : memref<393216xf32, #tpu.memory_space<hbm>> -> memref<12288xf32, #tpu.memory_space<hbm>>
      tpu.wait_dma2 semaphore(%run_scoped3A : memref<!tpu.dma_semaphore, #tpu.memory_space<semaphore_mem>>) src(%arg10 : memref<12288xf32, #tpu.memory_space<vmem>>) dst(%dma_wait3A_16 : memref<12288xf32, #tpu.memory_space<hbm>>)
      tpu.yield
    }) : () -> ()
    %dma_start3A_5 = arith.constant 0 : i32
    %dma_start3A_6 = tpu.memref_slice %arg3[%dma_start3A_5] : memref<7864320xf32, #tpu.memory_space<hbm>> -> memref<7864320xf32, #tpu.memory_space<hbm>>
    tpu.enqueue_indirect_dma source(%dma_start3A_6 : memref<7864320xf32, #tpu.memory_space<hbm>>) target(%arg10 : memref<12288xf32, #tpu.memory_space<vmem>>) offsets(%arg9 : memref<12288xi32, #tpu.memory_space<vmem>>) semaphore(%arg11 : memref<!tpu.dma_semaphore, #tpu.memory_space<semaphore_mem>>)
    %dma_wait3A_7 = arith.constant 0 : i32
    %dma_wait3A_8 = tpu.memref_slice %arg3[%dma_wait3A_7] : memref<7864320xf32, #tpu.memory_space<hbm>> -> memref<7864320xf32, #tpu.memory_space<hbm>>
    tpu.wait_indirect_dma semaphore(%arg11 : memref<!tpu.dma_semaphore, #tpu.memory_space<semaphore_mem>>) src(%dma_wait3A_8 : memref<7864320xf32, #tpu.memory_space<hbm>>) dst(%arg10 : memref<12288xf32, #tpu.memory_space<vmem>>)
    "tpu.region"() ({
      %run_scoped3A = tpu.sem_alloc : memref<!tpu.dma_semaphore, #tpu.memory_space<semaphore_mem>>
      %dma_start3A_13 = tpu.memref_slice %arg7[%mul3A_2] : memref<393216xf32, #tpu.memory_space<hbm>> -> memref<12288xf32, #tpu.memory_space<hbm>>
      %dma_start3A_14 = tpu.memref_slice %arg7[%mul3A_2] : memref<393216xf32, #tpu.memory_space<hbm>> -> memref<12288xf32, #tpu.memory_space<hbm>>
      tpu.enqueue_dma source(%arg10 : memref<12288xf32, #tpu.memory_space<vmem>>) target(%dma_start3A_14 : memref<12288xf32, #tpu.memory_space<hbm>>) target_semaphore(%run_scoped3A : memref<!tpu.dma_semaphore, #tpu.memory_space<semaphore_mem>>)
      %dma_wait3A_15 = tpu.memref_slice %arg7[%mul3A_2] : memref<393216xf32, #tpu.memory_space<hbm>> -> memref<12288xf32, #tpu.memory_space<hbm>>
      %dma_wait3A_16 = tpu.memref_slice %arg7[%mul3A_2] : memref<393216xf32, #tpu.memory_space<hbm>> -> memref<12288xf32, #tpu.memory_space<hbm>>
      tpu.wait_dma2 semaphore(%run_scoped3A : memref<!tpu.dma_semaphore, #tpu.memory_space<semaphore_mem>>) src(%arg10 : memref<12288xf32, #tpu.memory_space<vmem>>) dst(%dma_wait3A_16 : memref<12288xf32, #tpu.memory_space<hbm>>)
      tpu.yield
    }) : () -> ()
    "tpu.region"() ({
      %run_scoped3A = tpu.sem_alloc : memref<!tpu.dma_semaphore, #tpu.memory_space<semaphore_mem>>
      %dma_start3A_13 = tpu.memref_slice %arg5[%mul3A_2] : memref<393216xi32, #tpu.memory_space<hbm>> -> memref<12288xi32, #tpu.memory_space<hbm>>
      %dma_start3A_14 = tpu.memref_slice %arg5[%mul3A_2] : memref<393216xi32, #tpu.memory_space<hbm>> -> memref<12288xi32, #tpu.memory_space<hbm>>
      tpu.enqueue_dma source(%dma_start3A_14 : memref<12288xi32, #tpu.memory_space<hbm>>) target(%arg9 : memref<12288xi32, #tpu.memory_space<vmem>>) target_semaphore(%run_scoped3A : memref<!tpu.dma_semaphore, #tpu.memory_space<semaphore_mem>>)
      %dma_wait3A_15 = tpu.memref_slice %arg5[%mul3A_2] : memref<393216xi32, #tpu.memory_space<hbm>> -> memref<12288xi32, #tpu.memory_space<hbm>>
      %dma_wait3A_16 = tpu.memref_slice %arg5[%mul3A_2] : memref<393216xi32, #tpu.memory_space<hbm>> -> memref<12288xi32, #tpu.memory_space<hbm>>
      tpu.wait_dma2 semaphore(%run_scoped3A : memref<!tpu.dma_semaphore, #tpu.memory_space<semaphore_mem>>) src(%dma_wait3A_16 : memref<12288xi32, #tpu.memory_space<hbm>>) dst(%arg9 : memref<12288xi32, #tpu.memory_space<vmem>>)
      tpu.yield
    }) : () -> ()
    %dma_start3A_9 = arith.constant 0 : i32
    %dma_start3A_10 = tpu.memref_slice %arg2[%dma_start3A_9] : memref<7864320xf32, #tpu.memory_space<hbm>> -> memref<7864320xf32, #tpu.memory_space<hbm>>
    tpu.enqueue_indirect_dma source(%dma_start3A_10 : memref<7864320xf32, #tpu.memory_space<hbm>>) target(%arg10 : memref<12288xf32, #tpu.memory_space<vmem>>) offsets(%arg9 : memref<12288xi32, #tpu.memory_space<vmem>>) semaphore(%arg11 : memref<!tpu.dma_semaphore, #tpu.memory_space<semaphore_mem>>)
    %dma_wait3A_11 = arith.constant 0 : i32
    %dma_wait3A_12 = tpu.memref_slice %arg2[%dma_wait3A_11] : memref<7864320xf32, #tpu.memory_space<hbm>> -> memref<7864320xf32, #tpu.memory_space<hbm>>
    tpu.wait_indirect_dma semaphore(%arg11 : memref<!tpu.dma_semaphore, #tpu.memory_space<semaphore_mem>>) src(%dma_wait3A_12 : memref<7864320xf32, #tpu.memory_space<hbm>>) dst(%arg10 : memref<12288xf32, #tpu.memory_space<vmem>>)
    "tpu.region"() ({
      %run_scoped3A = tpu.sem_alloc : memref<!tpu.dma_semaphore, #tpu.memory_space<semaphore_mem>>
      %dma_start3A_13 = tpu.memref_slice %arg8[%mul3A_2] : memref<393216xf32, #tpu.memory_space<hbm>> -> memref<12288xf32, #tpu.memory_space<hbm>>
      %dma_start3A_14 = tpu.memref_slice %arg8[%mul3A_2] : memref<393216xf32, #tpu.memory_space<hbm>> -> memref<12288xf32, #tpu.memory_space<hbm>>
      tpu.enqueue_dma source(%arg10 : memref<12288xf32, #tpu.memory_space<vmem>>) target(%dma_start3A_14 : memref<12288xf32, #tpu.memory_space<hbm>>) target_semaphore(%run_scoped3A : memref<!tpu.dma_semaphore, #tpu.memory_space<semaphore_mem>>)
      %dma_wait3A_15 = tpu.memref_slice %arg8[%mul3A_2] : memref<393216xf32, #tpu.memory_space<hbm>> -> memref<12288xf32, #tpu.memory_space<hbm>>
      %dma_wait3A_16 = tpu.memref_slice %arg8[%mul3A_2] : memref<393216xf32, #tpu.memory_space<hbm>> -> memref<12288xf32, #tpu.memory_space<hbm>>
      tpu.wait_dma2 semaphore(%run_scoped3A : memref<!tpu.dma_semaphore, #tpu.memory_space<semaphore_mem>>) src(%arg10 : memref<12288xf32, #tpu.memory_space<vmem>>) dst(%dma_wait3A_16 : memref<12288xf32, #tpu.memory_space<hbm>>)
      tpu.yield
    }) : () -> ()
    return
  }
}

module attributes {stable_mosaic.version = 14 : i64} {
  func.func @_dist_body(%arg0: i32, %arg1: memref<20x24x2048xf32, #tpu.memory_space<vmem>>, %arg2: memref<24x2048xf32, #tpu.memory_space<vmem>>, %arg3: memref<20x2048xf32, #tpu.memory_space<vmem>>, %arg4: memref<24x2048xi32, #tpu.memory_space<vmem>>, %arg5: memref<24x2048xi32, #tpu.memory_space<vmem>>, %arg6: memref<1x1xf32, #tpu.memory_space<vmem>>) attributes {dimension_semantics = [#tpu.dimension_semantics<arbitrary>], iteration_bounds = array<i64: 8>, scalar_prefetch = 0 : i64, scratch_operands = 0 : i64, tpu.core_type = #tpu.core_type<tc>, window_params = [{transform_indices = @transform_0, window_bounds = array<i64: 20, 24, 2048>}, {transform_indices = @transform_1, window_bounds = array<i64: 24, 2048>}, {transform_indices = @transform_2, window_bounds = array<i64: 20, 2048>}, {transform_indices = @transform_3, window_bounds = array<i64: 24, 2048>}, {transform_indices = @transform_4, window_bounds = array<i64: 24, 2048>}, {pipeline_mode = #tpu.pipeline_mode<synchronous>, transform_indices = @transform_5, window_bounds = array<i64: 1, 1>}]} {
    %get3A = arith.constant 0 : index
    %get3A_0 = arith.constant 0 : index
    %get3A_1 = arith.constant 0 : index
    %get3A_2 = vector.load %arg1[%get3A, %get3A_0, %get3A_1] : memref<20x24x2048xf32, #tpu.memory_space<vmem>>, vector<20x24x2048xf32>
    %get3A_3 = arith.constant 0 : index
    %get3A_4 = arith.constant 0 : index
    %get3A_5 = vector.load %arg2[%get3A_3, %get3A_4] : memref<24x2048xf32, #tpu.memory_space<vmem>>, vector<24x2048xf32>
    %broadcast_in_dim3A = vector.shape_cast %get3A_5 : vector<24x2048xf32> to vector<1x24x2048xf32>
    %sub3A = vector.broadcast %broadcast_in_dim3A : vector<1x24x2048xf32> to vector<20x24x2048xf32>
    %sub3A_6 = arith.subf %get3A_2, %sub3A : vector<20x24x2048xf32>
    %slice3A = vector.extract_strided_slice %sub3A_6 {offsets = [0, 0, 0], sizes = [20, 1, 2048], strides = [1, 1, 1]} : vector<20x24x2048xf32> to vector<20x1x2048xf32>
    %squeeze3A = vector.shape_cast %slice3A : vector<20x1x2048xf32> to vector<20x2048xf32>
    %slice3A_7 = vector.extract_strided_slice %sub3A_6 {offsets = [0, 1, 0], sizes = [20, 1, 2048], strides = [1, 1, 1]} : vector<20x24x2048xf32> to vector<20x1x2048xf32>
    %squeeze3A_8 = vector.shape_cast %slice3A_7 : vector<20x1x2048xf32> to vector<20x2048xf32>
    %mul3A = arith.mulf %squeeze3A, %squeeze3A : vector<20x2048xf32>
    %mul3A_9 = arith.mulf %squeeze3A_8, %squeeze3A_8 : vector<20x2048xf32>
    %add3A = arith.addf %mul3A, %mul3A_9 : vector<20x2048xf32>
    %sqrt3A = math.sqrt %add3A : vector<20x2048xf32>
    %slice3A_10 = vector.extract_strided_slice %sub3A_6 {offsets = [0, 2, 0], sizes = [20, 1, 2048], strides = [1, 1, 1]} : vector<20x24x2048xf32> to vector<20x1x2048xf32>
    %squeeze3A_11 = vector.shape_cast %slice3A_10 : vector<20x1x2048xf32> to vector<20x2048xf32>
    %slice3A_12 = vector.extract_strided_slice %sub3A_6 {offsets = [0, 3, 0], sizes = [20, 1, 2048], strides = [1, 1, 1]} : vector<20x24x2048xf32> to vector<20x1x2048xf32>
    %squeeze3A_13 = vector.shape_cast %slice3A_12 : vector<20x1x2048xf32> to vector<20x2048xf32>
    %mul3A_14 = arith.mulf %squeeze3A_11, %squeeze3A_11 : vector<20x2048xf32>
    %mul3A_15 = arith.mulf %squeeze3A_13, %squeeze3A_13 : vector<20x2048xf32>
    %add3A_16 = arith.addf %mul3A_14, %mul3A_15 : vector<20x2048xf32>
    %sqrt3A_17 = math.sqrt %add3A_16 : vector<20x2048xf32>
    %slice3A_18 = vector.extract_strided_slice %sub3A_6 {offsets = [0, 4, 0], sizes = [20, 1, 2048], strides = [1, 1, 1]} : vector<20x24x2048xf32> to vector<20x1x2048xf32>
    %squeeze3A_19 = vector.shape_cast %slice3A_18 : vector<20x1x2048xf32> to vector<20x2048xf32>
    %slice3A_20 = vector.extract_strided_slice %sub3A_6 {offsets = [0, 5, 0], sizes = [20, 1, 2048], strides = [1, 1, 1]} : vector<20x24x2048xf32> to vector<20x1x2048xf32>
    %squeeze3A_21 = vector.shape_cast %slice3A_20 : vector<20x1x2048xf32> to vector<20x2048xf32>
    %mul3A_22 = arith.mulf %squeeze3A_19, %squeeze3A_19 : vector<20x2048xf32>
    %mul3A_23 = arith.mulf %squeeze3A_21, %squeeze3A_21 : vector<20x2048xf32>
    %add3A_24 = arith.addf %mul3A_22, %mul3A_23 : vector<20x2048xf32>
    %sqrt3A_25 = math.sqrt %add3A_24 : vector<20x2048xf32>
    %slice3A_26 = vector.extract_strided_slice %sub3A_6 {offsets = [0, 6, 0], sizes = [20, 1, 2048], strides = [1, 1, 1]} : vector<20x24x2048xf32> to vector<20x1x2048xf32>
    %squeeze3A_27 = vector.shape_cast %slice3A_26 : vector<20x1x2048xf32> to vector<20x2048xf32>
    %slice3A_28 = vector.extract_strided_slice %sub3A_6 {offsets = [0, 7, 0], sizes = [20, 1, 2048], strides = [1, 1, 1]} : vector<20x24x2048xf32> to vector<20x1x2048xf32>
    %squeeze3A_29 = vector.shape_cast %slice3A_28 : vector<20x1x2048xf32> to vector<20x2048xf32>
    %mul3A_30 = arith.mulf %squeeze3A_27, %squeeze3A_27 : vector<20x2048xf32>
    %mul3A_31 = arith.mulf %squeeze3A_29, %squeeze3A_29 : vector<20x2048xf32>
    %add3A_32 = arith.addf %mul3A_30, %mul3A_31 : vector<20x2048xf32>
    %sqrt3A_33 = math.sqrt %add3A_32 : vector<20x2048xf32>
    %slice3A_34 = vector.extract_strided_slice %sub3A_6 {offsets = [0, 8, 0], sizes = [20, 1, 2048], strides = [1, 1, 1]} : vector<20x24x2048xf32> to vector<20x1x2048xf32>
    %squeeze3A_35 = vector.shape_cast %slice3A_34 : vector<20x1x2048xf32> to vector<20x2048xf32>
    %slice3A_36 = vector.extract_strided_slice %sub3A_6 {offsets = [0, 9, 0], sizes = [20, 1, 2048], strides = [1, 1, 1]} : vector<20x24x2048xf32> to vector<20x1x2048xf32>
    %squeeze3A_37 = vector.shape_cast %slice3A_36 : vector<20x1x2048xf32> to vector<20x2048xf32>
    %mul3A_38 = arith.mulf %squeeze3A_35, %squeeze3A_35 : vector<20x2048xf32>
    %mul3A_39 = arith.mulf %squeeze3A_37, %squeeze3A_37 : vector<20x2048xf32>
    %add3A_40 = arith.addf %mul3A_38, %mul3A_39 : vector<20x2048xf32>
    %sqrt3A_41 = math.sqrt %add3A_40 : vector<20x2048xf32>
    %slice3A_42 = vector.extract_strided_slice %sub3A_6 {offsets = [0, 10, 0], sizes = [20, 1, 2048], strides = [1, 1, 1]} : vector<20x24x2048xf32> to vector<20x1x2048xf32>
    %squeeze3A_43 = vector.shape_cast %slice3A_42 : vector<20x1x2048xf32> to vector<20x2048xf32>
    %slice3A_44 = vector.extract_strided_slice %sub3A_6 {offsets = [0, 11, 0], sizes = [20, 1, 2048], strides = [1, 1, 1]} : vector<20x24x2048xf32> to vector<20x1x2048xf32>
    %squeeze3A_45 = vector.shape_cast %slice3A_44 : vector<20x1x2048xf32> to vector<20x2048xf32>
    %mul3A_46 = arith.mulf %squeeze3A_43, %squeeze3A_43 : vector<20x2048xf32>
    %mul3A_47 = arith.mulf %squeeze3A_45, %squeeze3A_45 : vector<20x2048xf32>
    %add3A_48 = arith.addf %mul3A_46, %mul3A_47 : vector<20x2048xf32>
    %sqrt3A_49 = math.sqrt %add3A_48 : vector<20x2048xf32>
    %slice3A_50 = vector.extract_strided_slice %sub3A_6 {offsets = [0, 12, 0], sizes = [20, 1, 2048], strides = [1, 1, 1]} : vector<20x24x2048xf32> to vector<20x1x2048xf32>
    %squeeze3A_51 = vector.shape_cast %slice3A_50 : vector<20x1x2048xf32> to vector<20x2048xf32>
    %slice3A_52 = vector.extract_strided_slice %sub3A_6 {offsets = [0, 13, 0], sizes = [20, 1, 2048], strides = [1, 1, 1]} : vector<20x24x2048xf32> to vector<20x1x2048xf32>
    %squeeze3A_53 = vector.shape_cast %slice3A_52 : vector<20x1x2048xf32> to vector<20x2048xf32>
    %mul3A_54 = arith.mulf %squeeze3A_51, %squeeze3A_51 : vector<20x2048xf32>
    %mul3A_55 = arith.mulf %squeeze3A_53, %squeeze3A_53 : vector<20x2048xf32>
    %add3A_56 = arith.addf %mul3A_54, %mul3A_55 : vector<20x2048xf32>
    %sqrt3A_57 = math.sqrt %add3A_56 : vector<20x2048xf32>
    %slice3A_58 = vector.extract_strided_slice %sub3A_6 {offsets = [0, 14, 0], sizes = [20, 1, 2048], strides = [1, 1, 1]} : vector<20x24x2048xf32> to vector<20x1x2048xf32>
    %squeeze3A_59 = vector.shape_cast %slice3A_58 : vector<20x1x2048xf32> to vector<20x2048xf32>
    %slice3A_60 = vector.extract_strided_slice %sub3A_6 {offsets = [0, 15, 0], sizes = [20, 1, 2048], strides = [1, 1, 1]} : vector<20x24x2048xf32> to vector<20x1x2048xf32>
    %squeeze3A_61 = vector.shape_cast %slice3A_60 : vector<20x1x2048xf32> to vector<20x2048xf32>
    %mul3A_62 = arith.mulf %squeeze3A_59, %squeeze3A_59 : vector<20x2048xf32>
    %mul3A_63 = arith.mulf %squeeze3A_61, %squeeze3A_61 : vector<20x2048xf32>
    %add3A_64 = arith.addf %mul3A_62, %mul3A_63 : vector<20x2048xf32>
    %sqrt3A_65 = math.sqrt %add3A_64 : vector<20x2048xf32>
    %slice3A_66 = vector.extract_strided_slice %sub3A_6 {offsets = [0, 16, 0], sizes = [20, 1, 2048], strides = [1, 1, 1]} : vector<20x24x2048xf32> to vector<20x1x2048xf32>
    %squeeze3A_67 = vector.shape_cast %slice3A_66 : vector<20x1x2048xf32> to vector<20x2048xf32>
    %slice3A_68 = vector.extract_strided_slice %sub3A_6 {offsets = [0, 17, 0], sizes = [20, 1, 2048], strides = [1, 1, 1]} : vector<20x24x2048xf32> to vector<20x1x2048xf32>
    %squeeze3A_69 = vector.shape_cast %slice3A_68 : vector<20x1x2048xf32> to vector<20x2048xf32>
    %mul3A_70 = arith.mulf %squeeze3A_67, %squeeze3A_67 : vector<20x2048xf32>
    %mul3A_71 = arith.mulf %squeeze3A_69, %squeeze3A_69 : vector<20x2048xf32>
    %add3A_72 = arith.addf %mul3A_70, %mul3A_71 : vector<20x2048xf32>
    %sqrt3A_73 = math.sqrt %add3A_72 : vector<20x2048xf32>
    %slice3A_74 = vector.extract_strided_slice %sub3A_6 {offsets = [0, 18, 0], sizes = [20, 1, 2048], strides = [1, 1, 1]} : vector<20x24x2048xf32> to vector<20x1x2048xf32>
    %squeeze3A_75 = vector.shape_cast %slice3A_74 : vector<20x1x2048xf32> to vector<20x2048xf32>
    %slice3A_76 = vector.extract_strided_slice %sub3A_6 {offsets = [0, 19, 0], sizes = [20, 1, 2048], strides = [1, 1, 1]} : vector<20x24x2048xf32> to vector<20x1x2048xf32>
    %squeeze3A_77 = vector.shape_cast %slice3A_76 : vector<20x1x2048xf32> to vector<20x2048xf32>
    %mul3A_78 = arith.mulf %squeeze3A_75, %squeeze3A_75 : vector<20x2048xf32>
    %mul3A_79 = arith.mulf %squeeze3A_77, %squeeze3A_77 : vector<20x2048xf32>
    %add3A_80 = arith.addf %mul3A_78, %mul3A_79 : vector<20x2048xf32>
    %sqrt3A_81 = math.sqrt %add3A_80 : vector<20x2048xf32>
    %slice3A_82 = vector.extract_strided_slice %sub3A_6 {offsets = [0, 20, 0], sizes = [20, 1, 2048], strides = [1, 1, 1]} : vector<20x24x2048xf32> to vector<20x1x2048xf32>
    %squeeze3A_83 = vector.shape_cast %slice3A_82 : vector<20x1x2048xf32> to vector<20x2048xf32>
    %slice3A_84 = vector.extract_strided_slice %sub3A_6 {offsets = [0, 21, 0], sizes = [20, 1, 2048], strides = [1, 1, 1]} : vector<20x24x2048xf32> to vector<20x1x2048xf32>
    %squeeze3A_85 = vector.shape_cast %slice3A_84 : vector<20x1x2048xf32> to vector<20x2048xf32>
    %mul3A_86 = arith.mulf %squeeze3A_83, %squeeze3A_83 : vector<20x2048xf32>
    %mul3A_87 = arith.mulf %squeeze3A_85, %squeeze3A_85 : vector<20x2048xf32>
    %add3A_88 = arith.addf %mul3A_86, %mul3A_87 : vector<20x2048xf32>
    %sqrt3A_89 = math.sqrt %add3A_88 : vector<20x2048xf32>
    %slice3A_90 = vector.extract_strided_slice %sub3A_6 {offsets = [0, 22, 0], sizes = [20, 1, 2048], strides = [1, 1, 1]} : vector<20x24x2048xf32> to vector<20x1x2048xf32>
    %squeeze3A_91 = vector.shape_cast %slice3A_90 : vector<20x1x2048xf32> to vector<20x2048xf32>
    %slice3A_92 = vector.extract_strided_slice %sub3A_6 {offsets = [0, 23, 0], sizes = [20, 1, 2048], strides = [1, 1, 1]} : vector<20x24x2048xf32> to vector<20x1x2048xf32>
    %squeeze3A_93 = vector.shape_cast %slice3A_92 : vector<20x1x2048xf32> to vector<20x2048xf32>
    %mul3A_94 = arith.mulf %squeeze3A_91, %squeeze3A_91 : vector<20x2048xf32>
    %mul3A_95 = arith.mulf %squeeze3A_93, %squeeze3A_93 : vector<20x2048xf32>
    %add3A_96 = arith.addf %mul3A_94, %mul3A_95 : vector<20x2048xf32>
    %sqrt3A_97 = math.sqrt %add3A_96 : vector<20x2048xf32>
    %add3A_98 = arith.addf %sqrt3A, %sqrt3A_17 : vector<20x2048xf32>
    %add3A_99 = arith.addf %add3A_98, %sqrt3A_25 : vector<20x2048xf32>
    %add3A_100 = arith.addf %add3A_99, %sqrt3A_33 : vector<20x2048xf32>
    %add3A_101 = arith.addf %add3A_100, %sqrt3A_41 : vector<20x2048xf32>
    %add3A_102 = arith.addf %add3A_101, %sqrt3A_49 : vector<20x2048xf32>
    %add3A_103 = arith.addf %add3A_102, %sqrt3A_57 : vector<20x2048xf32>
    %add3A_104 = arith.addf %add3A_103, %sqrt3A_65 : vector<20x2048xf32>
    %add3A_105 = arith.addf %add3A_104, %sqrt3A_73 : vector<20x2048xf32>
    %add3A_106 = arith.addf %add3A_105, %sqrt3A_81 : vector<20x2048xf32>
    %add3A_107 = arith.addf %add3A_106, %sqrt3A_89 : vector<20x2048xf32>
    %add3A_108 = arith.addf %add3A_107, %sqrt3A_97 : vector<20x2048xf32>
    %iota3A = tpu.iota {dimensions = array<i32: 0>} : vector<20x2048xi32>
    %reduce_min3A = arith.constant dense<0x7F800000> : vector<2048xf32>
    %reduce_min3A_109 = vector.multi_reduction <minimumf>, %add3A_108, %reduce_min3A [0] : vector<20x2048xf32> to vector<2048xf32>
    %broadcast_in_dim3A_110 = vector.shape_cast %reduce_min3A_109 : vector<2048xf32> to vector<1x2048xf32>
    %eq3A = vector.broadcast %broadcast_in_dim3A_110 : vector<1x2048xf32> to vector<20x2048xf32>
    %eq3A_111 = arith.cmpf oeq, %add3A_108, %eq3A : vector<20x2048xf32>
    %jit3A = arith.constant 20 : i32
    %broadcast_in_dim3A_112 = vector.broadcast %jit3A : i32 to vector<20x2048xi32>
    %select_n3A = arith.select %eq3A_111, %iota3A, %broadcast_in_dim3A_112 : vector<20x2048xi1>, vector<20x2048xi32>
    %reduce_min3A_113 = arith.constant dense<2147483647> : vector<2048xi32>
    %reduce_min3A_114 = vector.multi_reduction <minsi>, %select_n3A, %reduce_min3A_113 [0] : vector<20x2048xi32> to vector<2048xi32>
    %reduce_min3A_115 = arith.constant dense<0x7F800000> : vector<2048xf32>
    %reduce_min3A_116 = vector.multi_reduction <minimumf>, %sqrt3A_97, %reduce_min3A_115 [0] : vector<20x2048xf32> to vector<2048xf32>
    %broadcast_in_dim3A_117 = vector.shape_cast %reduce_min3A_116 : vector<2048xf32> to vector<1x2048xf32>
    %eq3A_118 = vector.broadcast %broadcast_in_dim3A_117 : vector<1x2048xf32> to vector<20x2048xf32>
    %eq3A_119 = arith.cmpf oeq, %sqrt3A_97, %eq3A_118 : vector<20x2048xf32>
    %jit3A_120 = arith.constant 20 : i32
    %broadcast_in_dim3A_121 = vector.broadcast %jit3A_120 : i32 to vector<20x2048xi32>
    %select_n3A_122 = arith.select %eq3A_119, %iota3A, %broadcast_in_dim3A_121 : vector<20x2048xi1>, vector<20x2048xi32>
    %reduce_min3A_123 = arith.constant dense<2147483647> : vector<2048xi32>
    %reduce_min3A_124 = vector.multi_reduction <minsi>, %select_n3A_122, %reduce_min3A_123 [0] : vector<20x2048xi32> to vector<2048xi32>
    %mul3A_125 = arith.constant 2048 : i32
    %mul3A_126 = arith.muli %arg0, %mul3A_125 : i32
    %iota3A_127 = tpu.iota {dimensions = array<i32: 1>} : vector<1x2048xi32>
    %add3A_128 = vector.broadcast %mul3A_126 : i32 to vector<1x2048xi32>
    %add3A_129 = arith.addi %add3A_128, %iota3A_127 : vector<1x2048xi32>
    %mul3A_130 = arith.constant 24 : i32
    %mul3A_131 = vector.broadcast %mul3A_130 : i32 to vector<1x2048xi32>
    %mul3A_132 = arith.muli %add3A_129, %mul3A_131 : vector<1x2048xi32>
    %iota3A_133 = tpu.iota {dimensions = array<i32: 0>} : vector<24x2048xi32>
    %reshape3A = vector.shape_cast %reduce_min3A_114 : vector<2048xi32> to vector<1x2048xi32>
    %mul3A_134 = arith.constant 393216 : i32
    %mul3A_135 = vector.broadcast %mul3A_134 : i32 to vector<1x2048xi32>
    %mul3A_136 = arith.muli %reshape3A, %mul3A_135 : vector<1x2048xi32>
    %add3A_137 = arith.addi %mul3A_136, %mul3A_132 : vector<1x2048xi32>
    %add3A_138 = vector.broadcast %add3A_137 : vector<1x2048xi32> to vector<24x2048xi32>
    %add3A_139 = arith.addi %add3A_138, %iota3A_133 : vector<24x2048xi32>
    %swap3A = arith.constant 0 : index
    %swap3A_140 = arith.constant 0 : index
    %swap3A_141 = vector.load %arg4[%swap3A, %swap3A_140] : memref<24x2048xi32, #tpu.memory_space<vmem>>, vector<24x2048xi32>
    tpu.vector_store %arg4[%swap3A, %swap3A_140], %add3A_139 {strides = array<i32>} : memref<24x2048xi32, #tpu.memory_space<vmem>>, vector<24x2048xi32>,
    %reshape3A_142 = vector.shape_cast %reduce_min3A_124 : vector<2048xi32> to vector<1x2048xi32>
    %mul3A_143 = arith.constant 393216 : i32
    %mul3A_144 = vector.broadcast %mul3A_143 : i32 to vector<1x2048xi32>
    %mul3A_145 = arith.muli %reshape3A_142, %mul3A_144 : vector<1x2048xi32>
    %add3A_146 = arith.addi %mul3A_145, %mul3A_132 : vector<1x2048xi32>
    %add3A_147 = vector.broadcast %add3A_146 : vector<1x2048xi32> to vector<24x2048xi32>
    %add3A_148 = arith.addi %add3A_147, %iota3A_133 : vector<24x2048xi32>
    %swap3A_149 = arith.constant 0 : index
    %swap3A_150 = arith.constant 0 : index
    %swap3A_151 = vector.load %arg5[%swap3A_149, %swap3A_150] : memref<24x2048xi32, #tpu.memory_space<vmem>>, vector<24x2048xi32>
    tpu.vector_store %arg5[%swap3A_149, %swap3A_150], %add3A_148 {strides = array<i32>} : memref<24x2048xi32, #tpu.memory_space<vmem>>, vector<24x2048xi32>,
    %mul3A_152 = arith.constant -0.0833333358 : f32
    %mul3A_153 = vector.broadcast %mul3A_152 : f32 to vector<20x2048xf32>
    %mul3A_154 = arith.mulf %add3A_108, %mul3A_153 : vector<20x2048xf32>
    %reduce_max3A = arith.constant dense<0xFF800000> : vector<2048xf32>
    %reduce_max3A_155 = vector.multi_reduction <maximumf>, %mul3A_154, %reduce_max3A [0] : vector<20x2048xf32> to vector<2048xf32>
    %broadcast_in_dim3A_156 = vector.shape_cast %reduce_max3A_155 : vector<2048xf32> to vector<1x2048xf32>
    %sub3A_157 = vector.broadcast %broadcast_in_dim3A_156 : vector<1x2048xf32> to vector<20x2048xf32>
    %sub3A_158 = arith.subf %mul3A_154, %sub3A_157 : vector<20x2048xf32>
    %exp3A = math.exp %sub3A_158 : vector<20x2048xf32>
    %reduce_sum3A = arith.constant dense<0.000000e+00> : vector<2048xf32>
    %reduce_sum3A_159 = vector.multi_reduction <add>, %exp3A, %reduce_sum3A [0] : vector<20x2048xf32> to vector<2048xf32>
    %broadcast_in_dim3A_160 = vector.shape_cast %reduce_sum3A_159 : vector<2048xf32> to vector<1x2048xf32>
    %div3A = vector.broadcast %broadcast_in_dim3A_160 : vector<1x2048xf32> to vector<20x2048xf32>
    %div3A_161 = arith.divf %exp3A, %div3A : vector<20x2048xf32>
    %get3A_162 = arith.constant 0 : index
    %get3A_163 = arith.constant 0 : index
    %get3A_164 = vector.load %arg3[%get3A_162, %get3A_163] : memref<20x2048xf32, #tpu.memory_space<vmem>>, vector<20x2048xf32>
    %reduce_max3A_165 = arith.constant dense<0xFF800000> : vector<2048xf32>
    %reduce_max3A_166 = vector.multi_reduction <maximumf>, %get3A_164, %reduce_max3A_165 [0] : vector<20x2048xf32> to vector<2048xf32>
    %broadcast_in_dim3A_167 = vector.shape_cast %reduce_max3A_166 : vector<2048xf32> to vector<1x2048xf32>
    %sub3A_168 = vector.broadcast %broadcast_in_dim3A_167 : vector<1x2048xf32> to vector<20x2048xf32>
    %sub3A_169 = arith.subf %get3A_164, %sub3A_168 : vector<20x2048xf32>
    %exp3A_170 = math.exp %sub3A_169 : vector<20x2048xf32>
    %reduce_sum3A_171 = arith.constant dense<0.000000e+00> : vector<2048xf32>
    %reduce_sum3A_172 = vector.multi_reduction <add>, %exp3A_170, %reduce_sum3A_171 [0] : vector<20x2048xf32> to vector<2048xf32>
    %log3A = math.log %reduce_sum3A_172 : vector<2048xf32>
    %add3A_173 = arith.addf %log3A, %reduce_max3A_166 : vector<2048xf32>
    %broadcast_in_dim3A_174 = vector.shape_cast %add3A_173 : vector<2048xf32> to vector<1x2048xf32>
    %sub3A_175 = vector.broadcast %broadcast_in_dim3A_174 : vector<1x2048xf32> to vector<20x2048xf32>
    %sub3A_176 = arith.subf %sub3A_175, %get3A_164 : vector<20x2048xf32>
    %mul3A_177 = arith.mulf %div3A_161, %sub3A_176 : vector<20x2048xf32>
    %reduce_sum3A_178 = arith.constant dense<0.000000e+00> : vector<2048xf32>
    %reduce_sum3A_179 = vector.multi_reduction <add>, %mul3A_177, %reduce_sum3A_178 [0] : vector<20x2048xf32> to vector<2048xf32>
    %reduce_sum3A_180 = vector.shape_cast %reduce_sum3A_179 : vector<2048xf32> to vector<1x2048xf32>
    %reduce_sum3A_181 = arith.constant dense<0.000000e+00> : vector<1xf32>
    %reduce_sum3A_182 = vector.multi_reduction <add>, %reduce_sum3A_180, %reduce_sum3A_181 [1] : vector<1x2048xf32> to vector<1xf32>
    %reduce_sum3A_183 = vector.shape_cast %reduce_sum3A_182 : vector<1xf32> to vector<1x1xf32>
    %reduce_sum3A_184 = vector.extract %reduce_sum3A_183[0, 0] : f32 from vector<1x1xf32>
    %eq3A_185 = arith.constant 0 : i32
    %eq3A_186 = arith.cmpi eq, %arg0, %eq3A_185 : i32
    %convert_element_type3A = arith.extui %eq3A_186 : i1 to i32
    %cond3A = arith.constant 0 : i32
    %cond3A_187 = arith.cmpi ne, %convert_element_type3A, %cond3A : i32
    scf.if %cond3A_187 {
      %broadcast_in_dim3A_196 = arith.constant 0.000000e+00 : f32
      %broadcast_in_dim3A_197 = vector.broadcast %broadcast_in_dim3A_196 : f32 to vector<1x1xf32>
      %swap3A_198 = arith.constant 0 : index
      %swap3A_199 = arith.constant 0 : index
      %swap3A_200 = vector.load %arg6[%swap3A_198, %swap3A_199] : memref<1x1xf32, #tpu.memory_space<vmem>>, vector<1x1xf32>
      tpu.vector_store %arg6[%swap3A_198, %swap3A_199], %broadcast_in_dim3A_197 {strides = array<i32>} : memref<1x1xf32, #tpu.memory_space<vmem>>, vector<1x1xf32>,
    } else {
    }
    %get3A_188 = arith.constant 0 : index
    %get3A_189 = arith.constant 0 : index
    %get3A_190 = vector.load %arg6[%get3A_188, %get3A_189] : memref<1x1xf32, #tpu.memory_space<vmem>>, vector<1x1xf32>
    %reshape3A_191 = vector.broadcast %reduce_sum3A_184 : f32 to vector<1x1xf32>
    %add3A_192 = arith.addf %get3A_190, %reshape3A_191 : vector<1x1xf32>
    %swap3A_193 = arith.constant 0 : index
    %swap3A_194 = arith.constant 0 : index
    %swap3A_195 = vector.load %arg6[%swap3A_193, %swap3A_194] : memref<1x1xf32, #tpu.memory_space<vmem>>, vector<1x1xf32>
    tpu.vector_store %arg6[%swap3A_193, %swap3A_194], %add3A_192 {strides = array<i32>} : memref<1x1xf32, #tpu.memory_space<vmem>>, vector<1x1xf32>,
    return
  }
  func.func @transform_0(%arg0: i32) -> (i32, i32, i32) {
    %c0_i32 = arith.constant 0 : i32
    %c0_i32_0 = arith.constant 0 : i32
    %c0_i32_1 = arith.constant 0 : i32
    return %c0_i32, %c0_i32_0, %arg0 : i32, i32, i32
  }
  func.func @transform_1(%arg0: i32) -> (i32, i32) {
    %c0_i32 = arith.constant 0 : i32
    %c0_i32_0 = arith.constant 0 : i32
    return %c0_i32, %arg0 : i32, i32
  }
  func.func @transform_2(%arg0: i32) -> (i32, i32) {
    %c0_i32 = arith.constant 0 : i32
    %c0_i32_0 = arith.constant 0 : i32
    return %c0_i32, %arg0 : i32, i32
  }
  func.func @transform_3(%arg0: i32) -> (i32, i32) {
    %c0_i32 = arith.constant 0 : i32
    %c0_i32_0 = arith.constant 0 : i32
    return %c0_i32, %arg0 : i32, i32
  }
  func.func @transform_4(%arg0: i32) -> (i32, i32) {
    %c0_i32 = arith.constant 0 : i32
    %c0_i32_0 = arith.constant 0 : i32
    return %c0_i32, %arg0 : i32, i32
  }
  func.func @transform_5(%arg0: i32) -> (i32, i32) {
    %c0_i32 = arith.constant 0 : i32
    %c0_i32_0 = arith.constant 0 : i32
    %c0_i32_1 = arith.constant 0 : i32
    return %c0_i32, %c0_i32_0 : i32, i32
  }
}

module attributes {stable_mosaic.version = 14 : i64} {
  func.func @_nll_body(%arg0: memref<192x2048xf32, #tpu.memory_space<vmem>>, %arg1: memref<192x2048xf32, #tpu.memory_space<vmem>>, %arg2: memref<192x2048xf32, #tpu.memory_space<vmem>>, %arg3: memref<1x1xf32, #tpu.memory_space<vmem>>) attributes {dimension_semantics = [], scalar_prefetch = 0 : i64, scratch_operands = 0 : i64, tpu.core_type = #tpu.core_type<tc>} {
    %get3A = arith.constant 0 : index
    %get3A_0 = arith.constant 0 : index
    %get3A_1 = vector.load %arg0[%get3A, %get3A_0] : memref<192x2048xf32, #tpu.memory_space<vmem>>, vector<192x2048xf32>
    %get3A_2 = arith.constant 0 : index
    %get3A_3 = arith.constant 0 : index
    %get3A_4 = vector.load %arg1[%get3A_2, %get3A_3] : memref<192x2048xf32, #tpu.memory_space<vmem>>, vector<192x2048xf32>
    %max3A = arith.constant 9.99999997E-7 : f32
    %max3A_5 = vector.broadcast %max3A : f32 to vector<192x2048xf32>
    %max3A_6 = arith.maximumf %get3A_4, %max3A_5 : vector<192x2048xf32>
    %mul3A = arith.constant 2.000000e+00 : f32
    %mul3A_7 = vector.broadcast %mul3A : f32 to vector<192x2048xf32>
    %mul3A_8 = arith.mulf %mul3A_7, %max3A_6 : vector<192x2048xf32>
    %log3A = math.log %mul3A_8 : vector<192x2048xf32>
    %get3A_9 = arith.constant 0 : index
    %get3A_10 = arith.constant 0 : index
    %get3A_11 = vector.load %arg2[%get3A_9, %get3A_10] : memref<192x2048xf32, #tpu.memory_space<vmem>>, vector<192x2048xf32>
    %sub3A = arith.subf %get3A_11, %get3A_1 : vector<192x2048xf32>
    %abs3A = math.absf %sub3A : vector<192x2048xf32>
    %div3A = arith.divf %abs3A, %max3A_6 : vector<192x2048xf32>
    %add3A = arith.addf %log3A, %div3A : vector<192x2048xf32>
    %reduce_sum3A = vector.shape_cast %add3A : vector<192x2048xf32> to vector<1x192x2048xf32>
    %reduce_sum3A_12 = arith.constant dense<0.000000e+00> : vector<1xf32>
    %reduce_sum3A_13 = vector.multi_reduction <add>, %reduce_sum3A, %reduce_sum3A_12 [1, 2] : vector<1x192x2048xf32> to vector<1xf32>
    %reduce_sum3A_14 = vector.shape_cast %reduce_sum3A_13 : vector<1xf32> to vector<1x1x1xf32>
    %reduce_sum3A_15 = vector.extract %reduce_sum3A_14[0, 0, 0] : f32 from vector<1x1x1xf32>
    %reshape3A = vector.broadcast %reduce_sum3A_15 : f32 to vector<1x1xf32>
    %swap3A = arith.constant 0 : index
    %swap3A_16 = arith.constant 0 : index
    %swap3A_17 = vector.load %arg3[%swap3A, %swap3A_16] : memref<1x1xf32, #tpu.memory_space<vmem>>, vector<1x1xf32>
    tpu.vector_store %arg3[%swap3A, %swap3A_16], %reshape3A {strides = array<i32>} : memref<1x1xf32, #tpu.memory_space<vmem>>, vector<1x1xf32>,
    return
  }
}

</mosaic_0001>

<sc_bundles>
// kernel: kernel.5.cloned.1.call-start
scs
__scs_entry_jumppad:
0x0: {  	(pc) =	sbr.rel $0x88, $3  }
0x1: {  	(tag) =	ssettag $0x0;
	lr =	simm.s32 $0x1  }
0x2: {  	[smem:$0x3F9C] =	sst lr;
	_ =	strace $0xD0000000  }
0x3: {  	_ = 	snop  }
0x4: {  	_ = 	snop  }
0x5: {  	_ = 	snop  }
0x6: {  	_ = 	snop  }
0x7: {  	_ = 	snop  }
__scs_overlays_trampoline_lowered:
0x8: {  	[smem:$0x3FAB] =	sst s0  }
0x9: {  	[smem:$0x3FAC] =	sst s1  }
0xa: {  	[smem:$0x3FAD] =	sst s2  }
0xb: {  	[smem:$0x3FAE] =	sst s3  }
0xc: {  	[smem:$0x3FAF] =	sst s4  }
0xd: {  	[smem:$0x3FB0] =	sst s5  }
0xe: {  	[smem:$0x3FB1] =	sst s6  }
0xf: {  	[smem:$0x3FB2] =	sst s7  }
0x10: {  	[smem:$0x3FB3] =	sst s8  }
0x11: {  	[smem:$0x3FB4] =	sst s9;
	s0 =	simm.s32 @!p0 $0x0  }
0x12: {  	s1 =	sld [smem:$0x3F9A];
	s0 =	simm.s32 @p0 $0x1  }
0x13: {  	[smem:$0x3FB5] =	sst s0;
	s0 =	simm.s32 @!p1 $0x0  }
0x14: {  	s2 =	sld [smem:$0x3F99];
	s0 =	simm.s32 @p1 $0x1  }
0x15: {  	[smem:$0x3FB6] =	sst s0;
	s0 =	simm.s32 @!p2 $0x0  }
0x16: {  	s3 =	sld [smem:$0x3FDB];
	s0 =	simm.s32 @p2 $0x1  }
0x17: {  	s4 =	simm.s32 $0x1BF5;
	[smem:$0x3FB8] =	sst s0  }
0x18: {  	s0 =	sld [smem:$0x3F9B];
	_ =	swait.ge [sflag:s4], $0x0  }
0x19: {  	s7 =	sld [smem:$0x3F9C]  }
0x1a: {  	s8 =	sadd.s32 $0xFFFFE003, lr  }
0x1b: {  	s9 =	sadd.s32 $0xFFFFFEF7, lr;
	s5 =	simm.s32 $0xFFFFFFFF;
	p2 =	slt.u32 s8, $0xFFFFF086  }
0x1c: {  	p1 =	slt.u32 s9, $0xF7A;
	s5 =	simm.s32 @!p2 $0x0  }
0x1d: {  	s5 =	simm.s32 @p1 $0x1;
	p0 =	seq.s32 s7, s2  }
0x1e: {  	s7 =	smul.u32 @!p0 $0xF7A, s2;
	p2 =	seq.s32 @!p0 s5, $0x0  }
0x1f: {  	s9 =	smul.u32 $0xF7A, s1;
	s8 =	simm.s32 @!p0 $0x1BF5;
	p2 =	por !p2, p0  }
0x20: {  	[sflag:s8] =	ssyncset.s32 @!p0 $0xFFFFF086;
	s6 =	sadd.s32 @!p0 s3, s7;
	s7 =	simm.s32 @!p0 $0x108  }
0x21: {  	s3 =	sadd.s32 s3, s9;
	s6 =	sadd.s32 @!p0 $0x88, s6;
	s7 =	simm.s32 @p2 $0x1082  }
0x22: {  	[simem:s7], [sflag:s8] =	dma.local @!p0 [hbm:s6], $0xF7A  }
0x23: {  	s9 =	sor.u32 $0xD0000000, s2;
	s6 =	simm.s32 $0x108;
	_ =	swait.ge @!p0 [sflag:s8], $0x0  }
0x24: {  	s3 =	sadd.s32 $0x88, s3;
	s6 =	simm.s32 @!p1 $0x1082;
	[sflag:s4] =	ssyncset.s32 $0xFFFFF086  }
0x25: {  	[simem:s6], [sflag:s4] =	dma.local [hbm:s3], $0xF7A  }
0x26: {  	[smem:$0x3F9C] =	sst s1;
	(tag) =	ssettag s2;
	_ =	strace s9  }
0x27: {  	s1 =	sld [smem:$0x3FAC]  }
0x28: {  	s2 =	sld [smem:$0x3FAD]  }
0x29: {  	s4 =	sld [smem:$0x3FAF]  }
0x2a: {  	p0 =	seq.s32 s5, $0x0;
	s5 =	sld [smem:$0x3FB0]  }
0x2b: {  	s6 =	sld [smem:$0x3FB1]  }
0x2c: {  	s7 =	sld [smem:$0x3FB2]  }
0x2d: {  	s3 =	simm.s32 $0x108;
	s8 =	sld [smem:$0x3FB3]  }
0x2e: {  	s3 =	simm.s32 @!p0 $0x1082;
	s9 =	sld [smem:$0x3FB4]  }
0x2f: {  	lr =	sadd.s32 s0, s3;
	s0 =	sld [smem:$0x3FAB]  }
0x30: {  	s3 =	sld [smem:$0x3FAE]  }
0x31: {  	[smem:$0x3FB7] =	sst s10  }
0x32: {  	s10 =	sld [smem:$0x3FB5];
	_ =	sdelay $0x3  }
0x33: {  	p0 =	seq.s32 s10, $0x1;
	s10 =	sld [smem:$0x3FB7];
	_ =	sdelay $0x3  }
0x34: {  	[smem:$0x3FB7] =	sst s10  }
0x35: {  	s10 =	sld [smem:$0x3FB6];
	_ =	sdelay $0x3  }
0x36: {  	p1 =	seq.s32 s10, $0x1;
	s10 =	sld [smem:$0x3FB7];
	_ =	sdelay $0x3  }
0x37: {  	[smem:$0x3FB7] =	sst s10  }
0x38: {  	s10 =	sld [smem:$0x3FB8]  }
0x39: {  	_ = 	snop;
	(pc) =	sbr.ind lr, $3  }
0x3a: {  	_ = 	snop  }
0x3b: {  	_ = 	snop  }
0x3c: {  	p2 =	seq.s32 s10, $0x1;
	s10 =	sld [smem:$0x3FB7]  }
0x3d: {  	_ =	shalt  }
0x3e: {  	_ =	shalt  }
0x3f: {  	_ =	shalt  }
0x40: {  	_ =	shalt  }
0x41: {  	_ =	shalt  }
0x42: {  	_ =	shalt  }
0x43: {  	_ =	shalt  }
0x44: {  	_ =	shalt  }
0x45: {  	_ =	shalt  }
0x46: {  	_ =	shalt  }
0x47: {  	_ =	shalt  }
0x48: {  	_ =	shalt  }
0x49: {  	_ =	shalt  }
0x4a: {  	_ =	shalt  }
0x4b: {  	_ =	shalt  }
0x4c: {  	_ =	shalt  }
0x4d: {  	_ =	shalt  }
0x4e: {  	_ =	shalt  }
0x4f: {  	_ =	shalt  }
0x50: {  	_ =	shalt  }
0x51: {  	_ =	shalt  }
0x52: {  	_ =	shalt  }
0x53: {  	_ =	shalt  }
0x54: {  	_ =	shalt  }
0x55: {  	_ =	shalt  }
0x56: {  	_ =	shalt  }
0x57: {  	_ =	shalt  }
0x58: {  	_ =	shalt  }
0x59: {  	_ =	shalt  }
0x5a: {  	_ =	shalt  }
0x5b: {  	_ =	shalt  }
0x5c: {  	_ =	shalt  }
0x5d: {  	_ =	shalt  }
0x5e: {  	_ =	shalt  }
0x5f: {  	_ =	shalt  }
0x60: {  	_ =	shalt  }
0x61: {  	_ =	shalt  }
0x62: {  	_ =	shalt  }
0x63: {  	_ =	shalt  }
0x64: {  	_ =	shalt  }
0x65: {  	_ =	shalt  }
0x66: {  	_ =	shalt  }
0x67: {  	_ =	shalt  }
0x68: {  	_ =	shalt  }
0x69: {  	_ =	shalt  }
0x6a: {  	_ =	shalt  }
0x6b: {  	_ =	shalt  }
0x6c: {  	_ =	shalt  }
0x6d: {  	_ =	shalt  }
0x6e: {  	_ =	shalt  }
0x6f: {  	_ =	shalt  }
0x70: {  	_ =	shalt  }
0x71: {  	_ =	shalt  }
0x72: {  	_ =	shalt  }
0x73: {  	_ =	shalt  }
0x74: {  	_ =	shalt  }
0x75: {  	_ =	shalt  }
0x76: {  	_ =	shalt  }
0x77: {  	_ =	shalt  }
0x78: {  	_ =	shalt  }
0x79: {  	_ =	shalt  }
0x7a: {  	_ =	shalt  }
0x7b: {  	_ =	shalt  }
0x7c: {  	_ =	shalt  }
0x7d: {  	_ =	shalt  }
0x7e: {  	_ =	shalt  }
0x7f: {  	_ =	shalt  }
0x80: {  	_ =	shalt  }
0x81: {  	_ =	shalt  }
0x82: {  	_ =	shalt  }
0x83: {  	_ =	shalt  }
0x84: {  	_ =	shalt  }
0x85: {  	_ =	shalt  }
0x86: {  	_ =	shalt  }
0x87: {  	_ =	shalt  }
.Lfunc_end0:
.L_simem_size_0:
called_computation_lowered:
.L_overlay_start_0:
0x88: {  	s2 =	sld [smem:$0x3FD9]  }
0x89: {  	s3 =	sld [smem:$0x3FFE];
	_ =	sdelay $0x1  }
0x8a: {  	s1 =	srdreg.scid  }
0x8b: {  	s0 =	sand.u32 $0x1, s1  }
0x8c: {  	s14 =	sshll.u32 s0, $0xA;
	s2 =	sadd.s32 s3, s2  }
0x8d: {  	s2 =	sadd.s32 s2, s14  }
0x8e: {  	[smem:$0x3FC3] =	sst s2  }
0x8f: {  	_ = 	snop  }
0x90: {  	s2 =	sld [smem:$0x3FD0];
	_ =	sdelay $0x2  }
0x91: {  	s15 =	simm.s32 $0xA;
	s4 =	simm.s32 $0x10  }
0x92: {  	[smem:s4], [sflag:s15] =	dma.local [hbm:s2], $0x1  }
0x93: {  	_ =	swait.eq [sflag:s15], $0x1  }
0x94: {  	[sflag:s15] =	ssyncset.done $0x0  }
0x95: {  	s16 =	sld [smem:$0x11];
	[sflag:s15] =	ssyncadd.s32 $0xFFFFFFFF  }
0x96: {  	s17 =	sld [smem:$0x12];
	(tm) =	ssettm $0x1  }
0x97: {  	s18 =	sld [smem:$0x3FFB];
	_ =	sdelay $0x3  }
0x98: {  	_ =	strace s18  }
0x99: {  	s4 =	sld [smem:$0x3FFC];
	_ =	sdelay $0x3  }
0x9a: {  	_ =	strace s4  }
0x9b: {  	s4 =	sld [smem:$0x3FFD];
	_ =	sdelay $0x3  }
0x9c: {  	_ =	strace s4  }
0x9d: {  	_ =	strace $0x8FFFFFFF  }
0x9e: {  	s19 =	sld [smem:$0x3FDB];
	_ =	sdelay $0x1  }
0x9f: {  	s5 =	simm.s32 $_scs_section_size  }
0xa0: {  	s6 =	simm.s32 $_size__tile_overlayer_lowered;
	s7 =	simm.s32 $_tile_overlayer_lowered  }
0xa1: {  	s22 =	simm.s32 $0x1BFF;
	s21 =	sshll.u32 s7, $0x1;
	s4 =	sadd.s32 s5, s19  }
0xa2: {  	s8 =	simm.s32 $0x0;
	s20 =	sshll.u32 s6, $0x1;
	s6 =	sadd.s32 s21, s4  }
0xa3: {  	[timem:s8], [sflag:s22] =	dma.local [hbm:s6], s20  }
0xa4: {  	_ =	swait.ge [sflag:s22], s20  }
0xa5: {  	s5 =	ssub.s32 $0x0, s20;
	[sflag:s22] =	ssyncset.done $0x0  }
0xa6: {  	[sflag:s22] =	ssyncadd.s32 s5;
	_ =	sdelay $0x1  }
0xa7: {  	s23 =	simm.s32 $0x1B8B  }
0xa8: {  	_ =	swait.ge [sflag:s23], $0x1  }
0xa9: {  	[sflag:s23] =	ssyncset.done $0x0  }
0xaa: {  	s25 =	simm.s32 $0x1B8E;
	s24 =	sld [smem:$0x3FFE];
	[sflag:s23] =	ssyncadd.s32 $0xFFFFFFFF  }
0xab: {  	s26 =	simm.s32 $execute0_lowered;
	[smem:$0x3FD2] =	sst s25  }
0xac: {  	s6 =	sshll.u32 s26, $0x1;
	_ =	strace $0x80000046;
	[dreg:$0x1] =	wrdreg $0xFFFFFFFF  }
0xad: {  	s28 =	simm.s32 $_size_execute0_lowered;
	s4 =	sadd.s32 s4, s6;
	[dreg:$0x0] =	wrdreg $0x0  }
0xae: {  	s6 =	sshll.u32 s28, $0x1;
	[dreg:$0x2] =	wrdreg s4  }
0xaf: {  	[dreg:$0x3] =	wrdreg s6  }
0xb0: {  	[dreg:$0x4] =	wrdreg $0xC0  }
0xb1: {  	_ =	task [dreg:s8], $0x5FFFF  }
0xb2: {  	[dreg:$0x1] =	wrdreg $0xFFFFFFFF  }
0xb3: {  	[dreg:$0x0] =	wrdreg $0x60  }
0xb4: {  	[dreg:$0x2] =	wrdreg s24  }
0xb5: {  	[dreg:$0x3] =	wrdreg s16  }
0xb6: {  	[dreg:$0x4] =	wrdreg s17  }
0xb7: {  	[dreg:$0x5] =	wrdreg $0x9  }
0xb8: {  	_ =	task.clear_ibuf [dreg:s8], $0x6FFFF;
	_ =	strace $0x90000046  }
0xb9: {  	s29 =	simm.s32 $0x9;
	_ =	strace $0x80000048  }
0xba: {  	_ =	swait.ge [sflag:s29], $0x1  }
0xbb: {  	[sflag:s29] =	ssyncadd.s32 $0xFFFFFFFF  }
0xbc: {  	_ =	strace $0x90000048  }
0xbd: {  	_ =	sfence  }
0xbe: {  	s30 =	sld [smem:$0x0];
	_ =	sdelay $0x2  }
0xbf: {  	s31 =	sshll.u32 s1, $0xD;
	s1 =	sshrl.u32 s1, $0x2  }
0xc0: {  	s3 =	sand.u32 $0x4000, s31;
	s1 =	sadd.s32 s1, s30  }
0xc1: {  	s0 =	sor.u32 s3, s0;
	s1 =	sshll.u32 s1, $0x11  }
0xc2: {  	s0 =	sor.u32 s1, s0  }
0xc3: {  	s0 =	sadd.s32 $0x8F2B, s0  }
0xc4: {  	[sflag:s0] =	ssyncadd.remote.s32 $0x1  }
0xc5: {  	_ =	sfence.sel $0xFFFF  }
0xc6: {  	[dreg:$0x0] =	wrdreg $0xFFFFFFFF;
	(pc) =	sbr.abs _section_cstart, $3  }
0xc7: {  	[dreg:$0x1] =	wrdreg $0xFFFFFFFF  }
0xc8: {  	_ =	task.clear_ibuf [dreg:s8], $0x2FFFF;
	_ =	strace $0x9FFFFFFF  }
0xc9: {  	(tm) =	ssettm $0x7FFFFFFF  }
tec
execute0_lowered:
.L_overlay_start_1:
0x0: {  	(tag) =	ssettag $0x1  }
0x1: {  	s9 =	rddreg [dreg:$0x0]  }
0x2: {  	s1 =	srdreg.scid;
	s0 =	stileid.u32  }
0x3: {  	s3 =	rddreg [dreg:$0x1];
	s12 =	sand.u32 $0x1, s1;
	s30 =	sshll.u32 s0, $0x1  }
0x4: {  	s11 =	rddreg [dreg:$0x2];
	s4 =	sor.u32 s12, s30  }
0x5: {  	s2 =	simm.s32 $0x0;
	s1 =	rddreg [dreg:$0x3];
	s13 =	smul.u32 $0x600, s4  }
0x6: {  	[smem:$0x7FF] =	sst s2  }
0x7: {  	_ =	strace $0x80000047;
	s4 =	sadd.s32 s3, s13;
	s3 =	simm.s32 $0x2  }
0x8: {  	[tilespmem:s2], [sflag:$0x2] =	stream.linear.gather [hbm4b:s4+s2], $0x3000, $0x38;
	[tilespmem:$0x6000] =	vst v63  }
0x9: {  	_ =	swait.ge [sflag:s3], $0x3000  }
0xa: {  	s6 =	simm.s32 $0x3000;
	[sflag:s3] =	ssyncset.done $0x0  }
0xb: {  	s7 =	simm.s32 $0x1;
	s5 =	sadd.s32 $0x50F1800, s9;
	[sflag:s3] =	ssyncadd.s32 $0xFFFFD000  }
0xc: {  	[tilespmem:s6], [sflag:$0x1] =	stream.indirect.gather [hbm4b:s5+s6], $0x1, s2, s6, $0xb8;
	[tilespmem:$0x6000] =	vst v63  }
0xd: {  	_ =	swait.ge [sflag:s7], $0x3000  }
0xe: {  	s14 =	sadd.s32 s13, s9;
	[sflag:s7] =	ssyncset.done $0x0  }
0xf: {  	s8 =	sadd.s32 $0x1800, s14;
	[sflag:s7] =	ssyncadd.s32 $0xFFFFD000  }
0x10: {  	[hbm4b:s8+s2] =	stream.linear.scatter [tilespmem:s6], [sflag:$0x2], $0x3000, $0x38;
	[tilespmem:$0x6000] =	vst v63  }
0x11: {  	_ =	swait.ge [sflag:s3], $0x3000  }
0x12: {  	[sflag:s3] =	ssyncset.done $0x0  }
0x13: {  	s9 =	sadd.s32 $0x51E1800, s9;
	[sflag:s3] =	ssyncadd.s32 $0xFFFFD000  }
0x14: {  	[tilespmem:s6], [sflag:$0x1] =	stream.indirect.gather [hbm4b:s9+s6], $0x1, s2, s6, $0xb8;
	[tilespmem:$0x6000] =	vst v63  }
0x15: {  	_ =	swait.ge [sflag:s7], $0x3000  }
0x16: {  	[sflag:s7] =	ssyncset.done $0x0  }
0x17: {  	s10 =	sadd.s32 $0xD800, s14;
	[sflag:s7] =	ssyncadd.s32 $0xFFFFD000  }
0x18: {  	[hbm4b:s10+s2] =	stream.linear.scatter [tilespmem:s6], [sflag:$0x2], $0x3000, $0x38;
	[tilespmem:$0x6000] =	vst v63  }
0x19: {  	_ =	swait.ge [sflag:s3], $0x3000  }
0x1a: {  	[sflag:s3] =	ssyncset.done $0x0  }
0x1b: {  	s12 =	ssub.s32 $0x2, s12;
	s11 =	sadd.s32 s11, s13;
	[sflag:s3] =	ssyncadd.s32 $0xFFFFD000  }
0x1c: {  	[tilespmem:s2], [sflag:$0x2] =	stream.linear.gather [hbm4b:s11+s2], $0x3000, $0x38;
	[tilespmem:$0x6000] =	vst v63  }
0x1d: {  	s31 =	sshrl.u32 s12, $0x1;
	_ =	swait.ge [sflag:s3], $0x3000  }
0x1e: {  	s13 =	ssub.s32 s12, s31;
	[sflag:s3] =	ssyncset.done $0x0  }
0x1f: {  	s13 =	smax.u32 s13, $0x1;
	[sflag:s3] =	ssyncadd.s32 $0xFFFFD000  }
0x20: {  	[tilespmem:s6], [sflag:$0x1] =	stream.indirect.gather [hbm4b:s5+s6], $0x1, s2, s6, $0xb8;
	[tilespmem:$0x6000] =	vst v63  }
0x21: {  	p0 =	sne.s32 s13, $0x1;
	_ =	swait.ge [sflag:s7], $0x3000  }
.Ltmp0:
0x22: {  	[sflag:s7] =	ssyncset.done $0x0;
	(pc) =	sbr.rel @!p0 .LBB2_2-.Ltmp0, $4  }
0x23: {  	s12 =	sadd.s32 $0x19800, s14;
	[sflag:s7] =	ssyncadd.s32 $0xFFFFD000  }
0x24: {  	[hbm4b:s12+s2] =	stream.linear.scatter [tilespmem:s6], [sflag:$0x2], $0x3000, $0x38;
	[tilespmem:$0x6000] =	vst v63  }
0x25: {  	_ =	swait.ge [sflag:s3], $0x3000  }
0x26: {  	s13 =	sadd.s32 $0xFFFFFFFF, s13;
	[sflag:s3] =	ssyncset.done $0x0  }
.LBB2_1:
0x27: {  	p0 =	sne.s32 s13, $0x1;
	s13 =	sadd.s32 $0xFFFFFFFF, s13;
	[sflag:s3] =	ssyncadd.s32 $0xFFFFD000  }
0x28: {  	[tilespmem:s2], [sflag:$0x2] =	stream.linear.gather [hbm4b:s4+s2], $0x3000, $0x38;
	[tilespmem:$0x6000] =	vst v63  }
0x29: {  	_ =	swait.ge [sflag:s3], $0x3000  }
0x2a: {  	[sflag:s3] =	ssyncset.done $0x0  }
0x2b: {  	[sflag:s3] =	ssyncadd.s32 $0xFFFFD000  }
0x2c: {  	[tilespmem:s6], [sflag:$0x1] =	stream.indirect.gather [hbm4b:s5+s6], $0x1, s2, s6, $0xb8;
	[tilespmem:$0x6000] =	vst v63  }
0x2d: {  	_ =	swait.ge [sflag:s7], $0x3000  }
0x2e: {  	[sflag:s7] =	ssyncset.done $0x0  }
0x2f: {  	[sflag:s7] =	ssyncadd.s32 $0xFFFFD000  }
0x30: {  	[hbm4b:s8+s2] =	stream.linear.scatter [tilespmem:s6], [sflag:$0x2], $0x3000, $0x38;
	[tilespmem:$0x6000] =	vst v63  }
0x31: {  	_ =	swait.ge [sflag:s3], $0x3000  }
0x32: {  	[sflag:s3] =	ssyncset.done $0x0  }
0x33: {  	[sflag:s3] =	ssyncadd.s32 $0xFFFFD000  }
0x34: {  	[tilespmem:s6], [sflag:$0x1] =	stream.indirect.gather [hbm4b:s9+s6], $0x1, s2, s6, $0xb8;
	[tilespmem:$0x6000] =	vst v63  }
0x35: {  	_ =	swait.ge [sflag:s7], $0x3000  }
0x36: {  	[sflag:s7] =	ssyncset.done $0x0  }
0x37: {  	[sflag:s7] =	ssyncadd.s32 $0xFFFFD000  }
0x38: {  	[hbm4b:s10+s2] =	stream.linear.scatter [tilespmem:s6], [sflag:$0x2], $0x3000, $0x38;
	[tilespmem:$0x6000] =	vst v63  }
0x39: {  	_ =	swait.ge [sflag:s3], $0x3000  }
0x3a: {  	[sflag:s3] =	ssyncset.done $0x0  }
0x3b: {  	[sflag:s3] =	ssyncadd.s32 $0xFFFFD000  }
0x3c: {  	[tilespmem:s2], [sflag:$0x2] =	stream.linear.gather [hbm4b:s11+s2], $0x3000, $0x38;
	[tilespmem:$0x6000] =	vst v63  }
0x3d: {  	_ =	swait.ge [sflag:s3], $0x3000  }
0x3e: {  	[sflag:s3] =	ssyncset.done $0x0  }
0x3f: {  	[sflag:s3] =	ssyncadd.s32 $0xFFFFD000  }
0x40: {  	[tilespmem:s6], [sflag:$0x1] =	stream.indirect.gather [hbm4b:s5+s6], $0x1, s2, s6, $0xb8;
	[tilespmem:$0x6000] =	vst v63  }
0x41: {  	_ =	swait.ge [sflag:s7], $0x3000  }
.Ltmp1:
0x42: {  	[sflag:s7] =	ssyncset.done $0x0;
	(pc) =	sbr.rel @p0 .LBB2_1-.Ltmp1, $4  }
0x43: {  	[sflag:s7] =	ssyncadd.s32 $0xFFFFD000  }
0x44: {  	[hbm4b:s12+s2] =	stream.linear.scatter [tilespmem:s6], [sflag:$0x2], $0x3000, $0x38;
	[tilespmem:$0x6000] =	vst v63  }
0x45: {  	_ =	swait.ge [sflag:s3], $0x3000  }
0x46: {  	[sflag:s3] =	ssyncset.done $0x0  }
.LBB2_2:
0x47: {  	[sflag:s3] =	ssyncadd.s32 $0xFFFFD000  }
0x48: {  	_ =	sfence.sel $0x180000  }
0x49: {  	[bflag:$0x0] =	sbarrier.arrive $0xFFFF  }
0x4a: {  	p0 =	sne.s32 s0, $0x0;
	_ =	strace $0x90000047  }
0x4b: {  	s0 =	sadd.s32 @!p0 $0x100000, s1;
	[bflag:$0x2] =	sbarrier.arrive $0xFFFF  }
0x4c: {  	[sflag:s0] =	ssyncadd.tile.s32 @!p0 $0x1;
	_ =	shalt  }
.Lfunc_end2:
_tile_overlayer_lowered:
.L_overlay_start_2:
0x4d: {  	(tag) =	ssettag $0x2  }
0x4e: {  	s0 =	rddreg [dreg:$0x0];
	s2 =	stileid.u32  }
0x4f: {  	s1 =	rddreg [dreg:$0x1];
	p0 =	sne.s32 s2, $0x0  }
0x50: {  	s3 =	rddreg [dreg:$0x2];
	[bflag:$0x3] =	sbarrier.arrive $0xFFFF;
	s2 =	simm.s32 @!p0 $0x1C02  }
0x51: {  	[timem:s3], [sflag:s2] =	dma.local @!p0 [hbm:s0], s1  }
0x52: {  	s0 =	simm.s32 @!p0 $0x2  }
0x53: {  	_ =	swait.ge @!p0 [sflag:s0], s1  }
0x54: {  	s1 =	ssub.s32 @!p0 $0x0, s1;
	[sflag:s0] =	ssyncset.done @!p0 $0x0  }
0x55: {  	[sflag:s0] =	ssyncadd.s32 @!p0 s1  }
0x56: {  	[bflag:$0x3] =	sbarrier.arrive $0xFFFF  }
0x57: {  	_ =	shalt  }

</sc_bundles>
